<compile_context>
chip_gen: v7x
topology: tpu7x:2x2x1
jax: 0.10.2.dev20260603
libtpu: 0.0.44.dev20260713+nightly
codegen_flags: <defaults>
</compile_context>

<pallas_src>
import functools

import jax
import jax.numpy as jnp
from jax import lax
from jax.experimental import pallas as pl
from jax.experimental.pallas import tpu as pltpu
from jax.experimental.pallas import tpu_sc as plsc

_N, _E, _D = 10000, 320000, 128
_NC, _NS = 2, 16
_C = 128
_CPT = 80
_CPH = 40
_EPAD = _NC * _NS * _CPT * _C
_NPAD = 10240
_RPT = _NPAD // _NS
_BLK = 1000
_G = _N // _BLK


def _dot_t(x, w):
    return lax.dot_general(x.astype(jnp.bfloat16), w.astype(jnp.bfloat16),
                           (((1,), (1,)), ((), ())),
                           preferred_element_type=jnp.float32)


def _tc_a_body(x_ref, px_ref, wq_ref, bq_ref, wk_ref, bk_ref, h_ref, h16_ref):
    q = _dot_t(x_ref[...], wq_ref[...]) + bq_ref[...]
    k = _dot_t(px_ref[...], wk_ref[...]) + bk_ref[...]
    h = jnp.maximum(q * k, 0.0)
    h_ref[...] = h
    h16_ref[...] = h.astype(jnp.bfloat16)


def _tc_b_body(h_ref, px_ref, a_ref, x_ref, wv_ref, bv_ref, wh_ref, bh_ref,
               w1_ref, b1_ref, w2_ref, b2_ref, o_ref):
    v = _dot_t(px_ref[...], wv_ref[...]) + bv_ref[...]
    t = h_ref[...] + v + a_ref[...]
    ho = jnp.maximum(_dot_t(t, wh_ref[...]) + bh_ref[...], 0.0) + x_ref[...]
    h1 = jnp.maximum(_dot_t(ho, w1_ref[...]) + b1_ref[...], 0.0)
    o_ref[...] = _dot_t(h1, w2_ref[...]) + b2_ref[...]


def _row_spec(d):
    return pl.BlockSpec((_BLK, d), lambda i: (i, 0))


def _full_spec(r, c):
    return pl.BlockSpec((r, c), lambda i: (0, 0))


def _tc_a(x, px, wq, bq, wk, bk):
    return pl.pallas_call(
        _tc_a_body,
        grid=(_G,),
        in_specs=[_row_spec(_D), _row_spec(_D),
                  _full_spec(_D, _D), _full_spec(1, _D),
                  _full_spec(_D, _D), _full_spec(1, _D)],
        out_specs=[_row_spec(_D), _row_spec(_D)],
        out_shape=[jax.ShapeDtypeStruct((_N, _D), jnp.float32),
                   jax.ShapeDtypeStruct((_N, _D), jnp.bfloat16)],
    )(x, px, wq, bq, wk, bk)


def _tc_b(h, px, aggr, x, wv, bv, wh, bh, w1, b1, w2, b2):
    return pl.pallas_call(
        _tc_b_body,
        grid=(_G,),
        in_specs=[_row_spec(_D), _row_spec(_D),
                  _row_spec(_D),
                  _row_spec(_D),
                  _full_spec(_D, _D), _full_spec(1, _D),
                  _full_spec(_D, _D), _full_spec(1, _D),
                  _full_spec(2 * _D, _D), _full_spec(1, 2 * _D),
                  _full_spec(_D, 2 * _D), _full_spec(1, _D)],
        out_specs=_row_spec(_D),
        out_shape=jax.ShapeDtypeStruct((_N, _D), jnp.float32),
    )(h, px, aggr, x, wv, bv, wh, bh, w1, b1, w2, b2)


def _sc_body(h_hbm, src_hbm, dst_hbm, zeros_hbm, out_hbm,
             idx_s, idx_d, rows0, rows1, acc, sem0, sem1):
    c = lax.axis_index("c")
    s = lax.axis_index("s")
    wid = s * _NC + c
    r0 = pl.multiple_of(s * _RPT, 8)
    pltpu.sync_copy(zeros_hbm, acc.at[pl.ds(r0, _RPT)])
    base = pl.multiple_of(wid * _CPT, 8)
    pltpu.sync_copy(src_hbm.at[pl.ds(base, _CPT)], idx_s)
    pltpu.sync_copy(dst_hbm.at[pl.ds(base, _CPT)], idx_d)
    plsc.subcore_barrier()

    pltpu.async_copy(h_hbm.at[idx_s.at[0]], rows0, sem0)

    @pl.loop(0, _CPT, step=2)
    def _pair(i):
        pltpu.async_copy(h_hbm.at[idx_s.at[i + 1]], rows1, sem1)
        pltpu.make_async_copy(h_hbm.at[idx_s.at[i]], rows0, sem0).wait()
        pltpu.sync_copy(rows0, acc.at[idx_d.at[i]], add=True)

        @pl.when(i + 2 < _CPT)
        def _():
            pltpu.async_copy(h_hbm.at[idx_s.at[i + 2]], rows0, sem0)

        pltpu.make_async_copy(h_hbm.at[idx_s.at[i + 1]], rows1, sem1).wait()
        pltpu.sync_copy(rows1, acc.at[idx_d.at[i + 1]], add=True)

    plsc.subcore_barrier()
    pltpu.sync_copy(acc.at[pl.ds(r0, _RPT)], out_hbm.at[c, pl.ds(r0, _RPT)])


@functools.cache
def _sc_agg_fn():
    return pl.kernel(
        _sc_body,
        out_type=jax.ShapeDtypeStruct((_NC, _NPAD, _D), jnp.bfloat16),
        mesh=plsc.VectorSubcoreMesh(core_axis_name="c", subcore_axis_name="s",
                                    num_cores=_NC, num_subcores=_NS),
        compiler_params=pltpu.CompilerParams(use_tc_tiling_on_sc=False),
        scratch_types=[
            pltpu.VMEM((_CPT, _C), jnp.int32),
            pltpu.VMEM((_CPT, _C), jnp.int32),
            pltpu.VMEM((_C, _D), jnp.bfloat16),
            pltpu.VMEM((_C, _D), jnp.bfloat16),
            pltpu.VMEM_SHARED((_NPAD, _D), jnp.bfloat16),
            pltpu.SemaphoreType.DMA,
            pltpu.SemaphoreType.DMA,
        ],
    )


def kernel(x, prompt_x, edge_index, Wq, bq, Wk, bk, Wv, bv, Wh, bh, W1, b1, W2, b2):
    npad = _EPAD - _E
    pad_iota = jnp.arange(npad, dtype=jnp.int32)
    src = jnp.concatenate([edge_index[0].astype(jnp.int32), pad_iota % _N]
                          ).reshape(_NC * _NS * _CPT, _C)
    dst = jnp.concatenate([edge_index[1].astype(jnp.int32),
                           _N + pad_iota % (_NPAD - _N)]
                          ).reshape(_NC * _NS * _CPT, _C)
    h, h16 = _tc_a(x, prompt_x, Wq, bq.reshape(1, _D), Wk, bk.reshape(1, _D))
    zeros = jnp.zeros((_RPT, _D), jnp.bfloat16)
    aggr = _sc_agg_fn()(h16, src, dst, zeros)
    aggr_sum = (aggr[0, :_N].astype(jnp.float32)
                + aggr[1, :_N].astype(jnp.float32))
    return _tc_b(h, prompt_x, aggr_sum, x, Wv, bv.reshape(1, _D),
                 Wh, bh.reshape(1, _D), W1, b1.reshape(1, 2 * _D),
                 W2, b2.reshape(1, _D))

# --- scband reference (transcript-rebuilt; emitter-appended) ---
"""Pipeline reference for scband-custom-denoising-network-19507741458639 (READ-ONLY COPY).

The authoritative reference and input builder live on the scoring server;
editing this copy changes nothing except your own understanding.
"""

import jax, jax.numpy as jnp
import numpy as np

N = 10000
E = 320000
D = 128

def _linear_params(key, fan_in, fan_out):
    # xavier_normal for weights, zeros for bias (faithful to nn.init.xavier_normal_)
    std = float(np.sqrt(2.0 / (fan_in + fan_out)))
    W = jax.random.normal(key, (fan_out, fan_in), jnp.float32) * std
    b = jnp.zeros((fan_out,), jnp.float32)
    return W, b

def setup_inputs(seed: int = 0):
    key = jax.random.key(seed)
    ks = jax.random.split(key, 10)
    x = jax.random.normal(ks[0], (N, D), jnp.float32)
    prompt_x = jax.random.normal(ks[1], (N, D), jnp.float32)
    edge_index = jax.random.randint(ks[2], (2, E), 0, N)
    Wq, bq = _linear_params(ks[3], D, D)
    Wk, bk = _linear_params(ks[4], D, D)
    Wv, bv = _linear_params(ks[5], D, D)
    Wh, bh = _linear_params(ks[6], D, D)
    W1, b1 = _linear_params(ks[7], D, 2 * D)
    W2, b2 = _linear_params(ks[8], 2 * D, D)
    return {"x": x, "prompt_x": prompt_x, "edge_index": edge_index,
            "Wq": Wq, "bq": bq, "Wk": Wk, "bk": bk, "Wv": Wv, "bv": bv,
            "Wh": Wh, "bh": bh, "W1": W1, "b1": b1, "W2": W2, "b2": b2}

def reference(x, prompt_x, edge_index, Wq, bq, Wk, bk, Wv, bv, Wh, bh, W1, b1, W2, b2):
    # Cross_Attention_Add.forward with condition='masked_graph', attn_product='mul',
    # score_act=True, edge_enhance=False, dropout=0, act=ReLU, in_dim==out_dim residual.
    Q = x @ Wq.T + bq
    K = prompt_x @ Wk.T + bk
    V = prompt_x @ Wv.T + bv
    h = jax.nn.relu(Q * K)
    src = jnp.take(h, edge_index[0], axis=0)          # gather over edges
    aggr = jax.ops.segment_sum(src, edge_index[1], num_segments=N)  # scatter-add to dst
    h_out = jax.nn.relu((h + V + aggr) @ Wh.T + bh)
    h_out = h_out + x  # residual since in_dim == out_dim
    h1 = jax.nn.relu(h_out @ W1.T + b1)
    out = h1 @ W2.T + b2
    return out

if __name__ == "__main__":
    import jax
    _d = setup_inputs()
    print(jax.jit(kernel)(*tuple(_d.values())))

</pallas_src>

<mosaic_0001>
#map = affine_map<(d0, d1) -> (0, 0)>
#map1 = affine_map<(d0, d1) -> (0, 0, 0)>
module attributes {stable_mosaic.version = 14 : i64} {
  func.func @_sc_body(%arg0: i32, %arg1: i32, %arg2: memref<10000x128xbf16, #tpu.memory_space<hbm>>, %arg3: memref<2560x128xi32, #tpu.memory_space<hbm>>, %arg4: memref<2560x128xi32, #tpu.memory_space<hbm>>, %arg5: memref<640x128xbf16, #tpu.memory_space<hbm>>, %arg6: memref<2x10240x128xbf16, #tpu.memory_space<hbm>>, %arg7: memref<80x128xi32, #tpu.memory_space<vmem>>, %arg8: memref<80x128xi32, #tpu.memory_space<vmem>>, %arg9: memref<128x128xbf16, #tpu.memory_space<vmem>>, %arg10: memref<128x128xbf16, #tpu.memory_space<vmem>>, %arg11: memref<10240x128xbf16, #tpu.memory_space<vmem_shared>>, %arg12: memref<!tpu.dma_semaphore, #tpu.memory_space<semaphore_mem>>, %arg13: memref<!tpu.dma_semaphore, #tpu.memory_space<semaphore_mem>>) attributes {dimension_semantics = [#tpu.dimension_semantics<core_parallel>, #tpu.dimension_semantics<subcore_parallel>], iteration_bounds = array<i64: 2, 16>, scalar_prefetch = 0 : i64, scratch_operands = 7 : i64, tpu.core_type = #tpu.core_type<sc_vector_subcore>, window_params = [{transform_indices = #map}, {transform_indices = #map}, {transform_indices = #map}, {transform_indices = #map}, {transform_indices = #map1}]} {
    %mul3A = arith.constant 2 : i32
    %mul3A_0 = arith.muli %arg1, %mul3A : i32
    %add3A = arith.addi %mul3A_0, %arg0 : i32
    %mul3A_1 = arith.constant 640 : i32
    %mul3A_2 = arith.muli %arg1, %mul3A_1 : i32
    %multiple_of3A = tpu.assume_multiple %mul3A_2, 8 : i32
    "tpu.region"() ({
      %run_scoped3A = tpu.sem_alloc : memref<!tpu.dma_semaphore, #tpu.memory_space<semaphore_mem>>
      %dma_start3A_17 = arith.constant 0 : i32
      %dma_start3A_18 = tpu.memref_slice %arg11[%multiple_of3A, %dma_start3A_17] : memref<10240x128xbf16, #tpu.memory_space<vmem_shared>> -> memref<640x128xbf16, #tpu.memory_space<vmem_shared>>
      tpu.enqueue_dma source(%arg5 : memref<640x128xbf16, #tpu.memory_space<hbm>>) target(%dma_start3A_18 : memref<640x128xbf16, #tpu.memory_space<vmem_shared>>) target_semaphore(%run_scoped3A : memref<!tpu.dma_semaphore, #tpu.memory_space<semaphore_mem>>)
      %dma_wait3A = arith.constant 0 : i32
      %dma_wait3A_19 = tpu.memref_slice %arg11[%multiple_of3A, %dma_wait3A] : memref<10240x128xbf16, #tpu.memory_space<vmem_shared>> -> memref<640x128xbf16, #tpu.memory_space<vmem_shared>>
      tpu.wait_dma2 semaphore(%run_scoped3A : memref<!tpu.dma_semaphore, #tpu.memory_space<semaphore_mem>>) src(%arg5 : memref<640x128xbf16, #tpu.memory_space<hbm>>) dst(%dma_wait3A_19 : memref<640x128xbf16, #tpu.memory_space<vmem_shared>>)
      tpu.yield
    }) : () -> ()
    %mul3A_3 = arith.constant 80 : i32
    %mul3A_4 = arith.muli %add3A, %mul3A_3 : i32
    %multiple_of3A_5 = tpu.assume_multiple %mul3A_4, 8 : i32
    "tpu.region"() ({
      %run_scoped3A = tpu.sem_alloc : memref<!tpu.dma_semaphore, #tpu.memory_space<semaphore_mem>>
      %dma_start3A_17 = arith.constant 0 : i32
      %dma_start3A_18 = tpu.memref_slice %arg3[%multiple_of3A_5, %dma_start3A_17] : memref<2560x128xi32, #tpu.memory_space<hbm>> -> memref<80x128xi32, #tpu.memory_space<hbm>>
      %dma_start3A_19 = arith.constant 0 : i32
      %dma_start3A_20 = tpu.memref_slice %arg3[%multiple_of3A_5, %dma_start3A_19] : memref<2560x128xi32, #tpu.memory_space<hbm>> -> memref<80x128xi32, #tpu.memory_space<hbm>>
      tpu.enqueue_dma source(%dma_start3A_20 : memref<80x128xi32, #tpu.memory_space<hbm>>) target(%arg7 : memref<80x128xi32, #tpu.memory_space<vmem>>) target_semaphore(%run_scoped3A : memref<!tpu.dma_semaphore, #tpu.memory_space<semaphore_mem>>)
      %dma_wait3A = arith.constant 0 : i32
      %dma_wait3A_21 = tpu.memref_slice %arg3[%multiple_of3A_5, %dma_wait3A] : memref<2560x128xi32, #tpu.memory_space<hbm>> -> memref<80x128xi32, #tpu.memory_space<hbm>>
      %dma_wait3A_22 = arith.constant 0 : i32
      %dma_wait3A_23 = tpu.memref_slice %arg3[%multiple_of3A_5, %dma_wait3A_22] : memref<2560x128xi32, #tpu.memory_space<hbm>> -> memref<80x128xi32, #tpu.memory_space<hbm>>
      tpu.wait_dma2 semaphore(%run_scoped3A : memref<!tpu.dma_semaphore, #tpu.memory_space<semaphore_mem>>) src(%dma_wait3A_23 : memref<80x128xi32, #tpu.memory_space<hbm>>) dst(%arg7 : memref<80x128xi32, #tpu.memory_space<vmem>>)
      tpu.yield
    }) : () -> ()
    "tpu.region"() ({
      %run_scoped3A = tpu.sem_alloc : memref<!tpu.dma_semaphore, #tpu.memory_space<semaphore_mem>>
      %dma_start3A_17 = arith.constant 0 : i32
      %dma_start3A_18 = tpu.memref_slice %arg4[%multiple_of3A_5, %dma_start3A_17] : memref<2560x128xi32, #tpu.memory_space<hbm>> -> memref<80x128xi32, #tpu.memory_space<hbm>>
      %dma_start3A_19 = arith.constant 0 : i32
      %dma_start3A_20 = tpu.memref_slice %arg4[%multiple_of3A_5, %dma_start3A_19] : memref<2560x128xi32, #tpu.memory_space<hbm>> -> memref<80x128xi32, #tpu.memory_space<hbm>>
      tpu.enqueue_dma source(%dma_start3A_20 : memref<80x128xi32, #tpu.memory_space<hbm>>) target(%arg8 : memref<80x128xi32, #tpu.memory_space<vmem>>) target_semaphore(%run_scoped3A : memref<!tpu.dma_semaphore, #tpu.memory_space<semaphore_mem>>)
      %dma_wait3A = arith.constant 0 : i32
      %dma_wait3A_21 = tpu.memref_slice %arg4[%multiple_of3A_5, %dma_wait3A] : memref<2560x128xi32, #tpu.memory_space<hbm>> -> memref<80x128xi32, #tpu.memory_space<hbm>>
      %dma_wait3A_22 = arith.constant 0 : i32
      %dma_wait3A_23 = tpu.memref_slice %arg4[%multiple_of3A_5, %dma_wait3A_22] : memref<2560x128xi32, #tpu.memory_space<hbm>> -> memref<80x128xi32, #tpu.memory_space<hbm>>
      tpu.wait_dma2 semaphore(%run_scoped3A : memref<!tpu.dma_semaphore, #tpu.memory_space<semaphore_mem>>) src(%dma_wait3A_23 : memref<80x128xi32, #tpu.memory_space<hbm>>) dst(%arg8 : memref<80x128xi32, #tpu.memory_space<vmem>>)
      tpu.yield
    }) : () -> ()
    %barrier3A = arith.constant 0 : index
    tpu.barrier barrier_id(%barrier3A)
    %dma_start3A = arith.constant 0 : i32
    %dma_start3A_6 = arith.constant 0 : i32
    %dma_start3A_7 = tpu.memref_slice %arg7[%dma_start3A, %dma_start3A_6] : memref<80x128xi32, #tpu.memory_space<vmem>> -> memref<1x128xi32, #tpu.memory_space<vmem>>
    %dma_start3A_8 = tpu.memref_squeeze %dma_start3A_7 : memref<1x128xi32, #tpu.memory_space<vmem>> -> memref<128xi32, #tpu.memory_space<vmem>>
    %dma_start3A_9 = arith.constant 0 : i32
    %dma_start3A_10 = arith.constant 0 : i32
    %dma_start3A_11 = tpu.memref_slice %arg2[%dma_start3A_9, %dma_start3A_10] : memref<10000x128xbf16, #tpu.memory_space<hbm>> -> memref<10000x128xbf16, #tpu.memory_space<hbm>>
    tpu.enqueue_indirect_dma source(%dma_start3A_11 : memref<10000x128xbf16, #tpu.memory_space<hbm>>) target(%arg9 : memref<128x128xbf16, #tpu.memory_space<vmem>>) offsets(%dma_start3A_8 : memref<128xi32, #tpu.memory_space<vmem>>) semaphore(%arg12 : memref<!tpu.dma_semaphore, #tpu.memory_space<semaphore_mem>>)
    %scan3A = arith.constant 0 : i32
    %scan3A_12 = arith.constant 40 : i32
    %scan3A_13 = arith.addi %scan3A, %scan3A_12 : i32
    %scan3A_14 = arith.constant 1 : i32
    scf.for %scan3A_17 = %scan3A to %scan3A_13 step %scan3A_14  : i32 {
      %mul3A_18 = arith.constant 2 : i32
      %mul3A_19 = arith.muli %scan3A_17, %mul3A_18 : i32
      %add3A_20 = arith.constant 0 : i32
      %add3A_21 = arith.addi %add3A_20, %mul3A_19 : i32
      %add3A_22 = arith.constant 1 : i32
      %add3A_23 = arith.addi %add3A_21, %add3A_22 : i32
      %dma_start3A_24 = arith.constant 0 : i32
      %dma_start3A_25 = tpu.memref_slice %arg7[%add3A_23, %dma_start3A_24] : memref<80x128xi32, #tpu.memory_space<vmem>> -> memref<1x128xi32, #tpu.memory_space<vmem>>
      %dma_start3A_26 = tpu.memref_squeeze %dma_start3A_25 : memref<1x128xi32, #tpu.memory_space<vmem>> -> memref<128xi32, #tpu.memory_space<vmem>>
      %dma_start3A_27 = arith.constant 0 : i32
      %dma_start3A_28 = arith.constant 0 : i32
      %dma_start3A_29 = tpu.memref_slice %arg2[%dma_start3A_27, %dma_start3A_28] : memref<10000x128xbf16, #tpu.memory_space<hbm>> -> memref<10000x128xbf16, #tpu.memory_space<hbm>>
      tpu.enqueue_indirect_dma source(%dma_start3A_29 : memref<10000x128xbf16, #tpu.memory_space<hbm>>) target(%arg10 : memref<128x128xbf16, #tpu.memory_space<vmem>>) offsets(%dma_start3A_26 : memref<128xi32, #tpu.memory_space<vmem>>) semaphore(%arg13 : memref<!tpu.dma_semaphore, #tpu.memory_space<semaphore_mem>>)
      %dma_wait3A = arith.constant 0 : i32
      %dma_wait3A_30 = tpu.memref_slice %arg7[%add3A_21, %dma_wait3A] : memref<80x128xi32, #tpu.memory_space<vmem>> -> memref<1x128xi32, #tpu.memory_space<vmem>>
      %dma_wait3A_31 = tpu.memref_squeeze %dma_wait3A_30 : memref<1x128xi32, #tpu.memory_space<vmem>> -> memref<128xi32, #tpu.memory_space<vmem>>
      %dma_wait3A_32 = arith.constant 0 : i32
      %dma_wait3A_33 = arith.constant 0 : i32
      %dma_wait3A_34 = tpu.memref_slice %arg2[%dma_wait3A_32, %dma_wait3A_33] : memref<10000x128xbf16, #tpu.memory_space<hbm>> -> memref<10000x128xbf16, #tpu.memory_space<hbm>>
      tpu.wait_indirect_dma semaphore(%arg12 : memref<!tpu.dma_semaphore, #tpu.memory_space<semaphore_mem>>) src(%dma_wait3A_34 : memref<10000x128xbf16, #tpu.memory_space<hbm>>) dst(%arg9 : memref<128x128xbf16, #tpu.memory_space<vmem>>)
      "tpu.region"() ({
        %run_scoped3A = tpu.sem_alloc : memref<!tpu.dma_semaphore, #tpu.memory_space<semaphore_mem>>
        %dma_start3A_49 = arith.constant 0 : i32
        %dma_start3A_50 = tpu.memref_slice %arg8[%add3A_21, %dma_start3A_49] : memref<80x128xi32, #tpu.memory_space<vmem>> -> memref<1x128xi32, #tpu.memory_space<vmem>>
        %dma_start3A_51 = tpu.memref_squeeze %dma_start3A_50 : memref<1x128xi32, #tpu.memory_space<vmem>> -> memref<128xi32, #tpu.memory_space<vmem>>
        %dma_start3A_52 = arith.constant 0 : i32
        %dma_start3A_53 = arith.constant 0 : i32
        %dma_start3A_54 = tpu.memref_slice %arg11[%dma_start3A_52, %dma_start3A_53] : memref<10240x128xbf16, #tpu.memory_space<vmem_shared>> -> memref<10240x128xbf16, #tpu.memory_space<vmem_shared>>
        tpu.enqueue_indirect_dma source(%arg9 : memref<128x128xbf16, #tpu.memory_space<vmem>>) target(%dma_start3A_54 : memref<10240x128xbf16, #tpu.memory_space<vmem_shared>>) offsets(%dma_start3A_51 : memref<128xi32, #tpu.memory_space<vmem>>) semaphore(%run_scoped3A : memref<!tpu.dma_semaphore, #tpu.memory_space<semaphore_mem>>) {add = true}
        %dma_wait3A_55 = arith.constant 0 : i32
        %dma_wait3A_56 = tpu.memref_slice %arg8[%add3A_21, %dma_wait3A_55] : memref<80x128xi32, #tpu.memory_space<vmem>> -> memref<1x128xi32, #tpu.memory_space<vmem>>
        %dma_wait3A_57 = tpu.memref_squeeze %dma_wait3A_56 : memref<1x128xi32, #tpu.memory_space<vmem>> -> memref<128xi32, #tpu.memory_space<vmem>>
        %dma_wait3A_58 = arith.constant 0 : i32
        %dma_wait3A_59 = arith.constant 0 : i32
        %dma_wait3A_60 = tpu.memref_slice %arg11[%dma_wait3A_58, %dma_wait3A_59] : memref<10240x128xbf16, #tpu.memory_space<vmem_shared>> -> memref<10240x128xbf16, #tpu.memory_space<vmem_shared>>
        tpu.wait_indirect_dma semaphore(%run_scoped3A : memref<!tpu.dma_semaphore, #tpu.memory_space<semaphore_mem>>) src(%arg9 : memref<128x128xbf16, #tpu.memory_space<vmem>>) dst(%dma_wait3A_60 : memref<10240x128xbf16, #tpu.memory_space<vmem_shared>>)
        tpu.yield
      }) : () -> ()
      %add3A_35 = arith.constant 2 : i32
      %add3A_36 = arith.addi %add3A_21, %add3A_35 : i32
      %lt3A = arith.constant 80 : i32
      %lt3A_37 = arith.cmpi slt, %add3A_36, %lt3A : i32
      %convert_element_type3A = arith.extui %lt3A_37 : i1 to i32
      %cond3A = arith.constant 0 : i32
      %cond3A_38 = arith.cmpi ne, %convert_element_type3A, %cond3A : i32
      scf.if %cond3A_38 {
        %add3A_49 = arith.constant 2 : i32
        %add3A_50 = arith.addi %add3A_21, %add3A_49 : i32
        %dma_start3A_51 = arith.constant 0 : i32
        %dma_start3A_52 = tpu.memref_slice %arg7[%add3A_50, %dma_start3A_51] : memref<80x128xi32, #tpu.memory_space<vmem>> -> memref<1x128xi32, #tpu.memory_space<vmem>>
        %dma_start3A_53 = tpu.memref_squeeze %dma_start3A_52 : memref<1x128xi32, #tpu.memory_space<vmem>> -> memref<128xi32, #tpu.memory_space<vmem>>
        %dma_start3A_54 = arith.constant 0 : i32
        %dma_start3A_55 = arith.constant 0 : i32
        %dma_start3A_56 = tpu.memref_slice %arg2[%dma_start3A_54, %dma_start3A_55] : memref<10000x128xbf16, #tpu.memory_space<hbm>> -> memref<10000x128xbf16, #tpu.memory_space<hbm>>
        tpu.enqueue_indirect_dma source(%dma_start3A_56 : memref<10000x128xbf16, #tpu.memory_space<hbm>>) target(%arg9 : memref<128x128xbf16, #tpu.memory_space<vmem>>) offsets(%dma_start3A_53 : memref<128xi32, #tpu.memory_space<vmem>>) semaphore(%arg12 : memref<!tpu.dma_semaphore, #tpu.memory_space<semaphore_mem>>)
      } else {
      }
      %add3A_39 = arith.constant 1 : i32
      %add3A_40 = arith.addi %add3A_21, %add3A_39 : i32
      %dma_wait3A_41 = arith.constant 0 : i32
      %dma_wait3A_42 = tpu.memref_slice %arg7[%add3A_40, %dma_wait3A_41] : memref<80x128xi32, #tpu.memory_space<vmem>> -> memref<1x128xi32, #tpu.memory_space<vmem>>
      %dma_wait3A_43 = tpu.memref_squeeze %dma_wait3A_42 : memref<1x128xi32, #tpu.memory_space<vmem>> -> memref<128xi32, #tpu.memory_space<vmem>>
      %dma_wait3A_44 = arith.constant 0 : i32
      %dma_wait3A_45 = arith.constant 0 : i32
      %dma_wait3A_46 = tpu.memref_slice %arg2[%dma_wait3A_44, %dma_wait3A_45] : memref<10000x128xbf16, #tpu.memory_space<hbm>> -> memref<10000x128xbf16, #tpu.memory_space<hbm>>
      tpu.wait_indirect_dma semaphore(%arg13 : memref<!tpu.dma_semaphore, #tpu.memory_space<semaphore_mem>>) src(%dma_wait3A_46 : memref<10000x128xbf16, #tpu.memory_space<hbm>>) dst(%arg10 : memref<128x128xbf16, #tpu.memory_space<vmem>>)
      %add3A_47 = arith.constant 1 : i32
      %add3A_48 = arith.addi %add3A_21, %add3A_47 : i32
      "tpu.region"() ({
        %run_scoped3A = tpu.sem_alloc : memref<!tpu.dma_semaphore, #tpu.memory_space<semaphore_mem>>
        %dma_start3A_49 = arith.constant 0 : i32
        %dma_start3A_50 = tpu.memref_slice %arg8[%add3A_48, %dma_start3A_49] : memref<80x128xi32, #tpu.memory_space<vmem>> -> memref<1x128xi32, #tpu.memory_space<vmem>>
        %dma_start3A_51 = tpu.memref_squeeze %dma_start3A_50 : memref<1x128xi32, #tpu.memory_space<vmem>> -> memref<128xi32, #tpu.memory_space<vmem>>
        %dma_start3A_52 = arith.constant 0 : i32
        %dma_start3A_53 = arith.constant 0 : i32
        %dma_start3A_54 = tpu.memref_slice %arg11[%dma_start3A_52, %dma_start3A_53] : memref<10240x128xbf16, #tpu.memory_space<vmem_shared>> -> memref<10240x128xbf16, #tpu.memory_space<vmem_shared>>
        tpu.enqueue_indirect_dma source(%arg10 : memref<128x128xbf16, #tpu.memory_space<vmem>>) target(%dma_start3A_54 : memref<10240x128xbf16, #tpu.memory_space<vmem_shared>>) offsets(%dma_start3A_51 : memref<128xi32, #tpu.memory_space<vmem>>) semaphore(%run_scoped3A : memref<!tpu.dma_semaphore, #tpu.memory_space<semaphore_mem>>) {add = true}
        %dma_wait3A_55 = arith.constant 0 : i32
        %dma_wait3A_56 = tpu.memref_slice %arg8[%add3A_48, %dma_wait3A_55] : memref<80x128xi32, #tpu.memory_space<vmem>> -> memref<1x128xi32, #tpu.memory_space<vmem>>
        %dma_wait3A_57 = tpu.memref_squeeze %dma_wait3A_56 : memref<1x128xi32, #tpu.memory_space<vmem>> -> memref<128xi32, #tpu.memory_space<vmem>>
        %dma_wait3A_58 = arith.constant 0 : i32
        %dma_wait3A_59 = arith.constant 0 : i32
        %dma_wait3A_60 = tpu.memref_slice %arg11[%dma_wait3A_58, %dma_wait3A_59] : memref<10240x128xbf16, #tpu.memory_space<vmem_shared>> -> memref<10240x128xbf16, #tpu.memory_space<vmem_shared>>
        tpu.wait_indirect_dma semaphore(%run_scoped3A : memref<!tpu.dma_semaphore, #tpu.memory_space<semaphore_mem>>) src(%arg10 : memref<128x128xbf16, #tpu.memory_space<vmem>>) dst(%dma_wait3A_60 : memref<10240x128xbf16, #tpu.memory_space<vmem_shared>>)
        tpu.yield
      }) : () -> ()
    }
    %scan3A_15 = arith.constant 40 : i32
    %barrier3A_16 = arith.constant 0 : index
    tpu.barrier barrier_id(%barrier3A_16)
    "tpu.region"() ({
      %run_scoped3A = tpu.sem_alloc : memref<!tpu.dma_semaphore, #tpu.memory_space<semaphore_mem>>
      %dma_start3A_17 = arith.constant 0 : i32
      %dma_start3A_18 = tpu.memref_slice %arg6[%arg0, %multiple_of3A, %dma_start3A_17] : memref<2x10240x128xbf16, #tpu.memory_space<hbm>> -> memref<1x640x128xbf16, #tpu.memory_space<hbm>>
      %dma_start3A_19 = tpu.memref_squeeze %dma_start3A_18 : memref<1x640x128xbf16, #tpu.memory_space<hbm>> -> memref<640x128xbf16, #tpu.memory_space<hbm>>
      %dma_start3A_20 = arith.constant 0 : i32
      %dma_start3A_21 = tpu.memref_slice %arg11[%multiple_of3A, %dma_start3A_20] : memref<10240x128xbf16, #tpu.memory_space<vmem_shared>> -> memref<640x128xbf16, #tpu.memory_space<vmem_shared>>
      tpu.enqueue_dma source(%dma_start3A_21 : memref<640x128xbf16, #tpu.memory_space<vmem_shared>>) target(%dma_start3A_19 : memref<640x128xbf16, #tpu.memory_space<hbm>>) target_semaphore(%run_scoped3A : memref<!tpu.dma_semaphore, #tpu.memory_space<semaphore_mem>>)
      %dma_wait3A = arith.constant 0 : i32
      %dma_wait3A_22 = tpu.memref_slice %arg6[%arg0, %multiple_of3A, %dma_wait3A] : memref<2x10240x128xbf16, #tpu.memory_space<hbm>> -> memref<1x640x128xbf16, #tpu.memory_space<hbm>>
      %dma_wait3A_23 = tpu.memref_squeeze %dma_wait3A_22 : memref<1x640x128xbf16, #tpu.memory_space<hbm>> -> memref<640x128xbf16, #tpu.memory_space<hbm>>
      %dma_wait3A_24 = arith.constant 0 : i32
      %dma_wait3A_25 = tpu.memref_slice %arg11[%multiple_of3A, %dma_wait3A_24] : memref<10240x128xbf16, #tpu.memory_space<vmem_shared>> -> memref<640x128xbf16, #tpu.memory_space<vmem_shared>>
      tpu.wait_dma2 semaphore(%run_scoped3A : memref<!tpu.dma_semaphore, #tpu.memory_space<semaphore_mem>>) src(%dma_wait3A_25 : memref<640x128xbf16, #tpu.memory_space<vmem_shared>>) dst(%dma_wait3A_23 : memref<640x128xbf16, #tpu.memory_space<hbm>>)
      tpu.yield
    }) : () -> ()
    return
  }
}

module attributes {stable_mosaic.version = 14 : i64} {
  func.func @_tc_a_body(%arg0: i32, %arg1: memref<1000x128xf32, #tpu.memory_space<vmem>>, %arg2: memref<1000x128xf32, #tpu.memory_space<vmem>>, %arg3: memref<128x128xf32, #tpu.memory_space<vmem>>, %arg4: memref<1x128xf32, #tpu.memory_space<vmem>>, %arg5: memref<128x128xf32, #tpu.memory_space<vmem>>, %arg6: memref<1x128xf32, #tpu.memory_space<vmem>>, %arg7: memref<1000x128xf32, #tpu.memory_space<vmem>>, %arg8: memref<1000x128xbf16, #tpu.memory_space<vmem>>) attributes {dimension_semantics = [#tpu.dimension_semantics<arbitrary>], iteration_bounds = array<i64: 10>, scalar_prefetch = 0 : i64, scratch_operands = 0 : i64, tpu.core_type = #tpu.core_type<tc>, window_params = [{transform_indices = @transform_0, window_bounds = array<i64: 1000, 128>}, {transform_indices = @transform_1, window_bounds = array<i64: 1000, 128>}, {pipeline_mode = #tpu.pipeline_mode<synchronous>, transform_indices = @transform_2, window_bounds = array<i64: 128, 128>}, {pipeline_mode = #tpu.pipeline_mode<synchronous>, transform_indices = @transform_3, window_bounds = array<i64: 1, 128>}, {pipeline_mode = #tpu.pipeline_mode<synchronous>, transform_indices = @transform_4, window_bounds = array<i64: 128, 128>}, {pipeline_mode = #tpu.pipeline_mode<synchronous>, transform_indices = @transform_5, window_bounds = array<i64: 1, 128>}, {transform_indices = @transform_6, window_bounds = array<i64: 1000, 128>}, {transform_indices = @transform_7, window_bounds = array<i64: 1000, 128>}]} {
    %get3A = arith.constant 0 : index
    %get3A_0 = arith.constant 0 : index
    %get3A_1 = vector.load %arg1[%get3A, %get3A_0] : memref<1000x128xf32, #tpu.memory_space<vmem>>, vector<1000x128xf32>
    %get3A_2 = arith.constant 0 : index
    %get3A_3 = arith.constant 0 : index
    %get3A_4 = vector.load %arg3[%get3A_2, %get3A_3] : memref<128x128xf32, #tpu.memory_space<vmem>>, vector<128x128xf32>
    %convert_element_type3A = arith.truncf %get3A_1 : vector<1000x128xf32> to vector<1000x128xbf16>
    %convert_element_type3A_5 = arith.truncf %get3A_4 : vector<128x128xf32> to vector<128x128xbf16>
    %dot_general3A = arith.constant dense<0.000000e+00> : vector<1000x128xf32>
    %dot_general3A_6 = tpu.matmul %convert_element_type3A, %convert_element_type3A_5, %dot_general3A {dimension_numbers = #tpu.dot_dimension_numbers<[1], [1], [0], [0], [0, 0, 1, 0], [], []>, transpose_lhs_hint = false} : vector<1000x128xbf16>, vector<128x128xbf16>, vector<1000x128xf32> -> vector<1000x128xf32>
    %get3A_7 = arith.constant 0 : index
    %get3A_8 = arith.constant 0 : index
    %get3A_9 = vector.load %arg4[%get3A_7, %get3A_8] : memref<1x128xf32, #tpu.memory_space<vmem>>, vector<1x128xf32>
    %add3A = vector.broadcast %get3A_9 : vector<1x128xf32> to vector<1000x128xf32>
    %add3A_10 = arith.addf %dot_general3A_6, %add3A : vector<1000x128xf32>
    %get3A_11 = arith.constant 0 : index
    %get3A_12 = arith.constant 0 : index
    %get3A_13 = vector.load %arg2[%get3A_11, %get3A_12] : memref<1000x128xf32, #tpu.memory_space<vmem>>, vector<1000x128xf32>
    %get3A_14 = arith.constant 0 : index
    %get3A_15 = arith.constant 0 : index
    %get3A_16 = vector.load %arg5[%get3A_14, %get3A_15] : memref<128x128xf32, #tpu.memory_space<vmem>>, vector<128x128xf32>
    %convert_element_type3A_17 = arith.truncf %get3A_13 : vector<1000x128xf32> to vector<1000x128xbf16>
    %convert_element_type3A_18 = arith.truncf %get3A_16 : vector<128x128xf32> to vector<128x128xbf16>
    %dot_general3A_19 = arith.constant dense<0.000000e+00> : vector<1000x128xf32>
    %dot_general3A_20 = tpu.matmul %convert_element_type3A_17, %convert_element_type3A_18, %dot_general3A_19 {dimension_numbers = #tpu.dot_dimension_numbers<[1], [1], [0], [0], [0, 0, 1, 0], [], []>, transpose_lhs_hint = false} : vector<1000x128xbf16>, vector<128x128xbf16>, vector<1000x128xf32> -> vector<1000x128xf32>
    %get3A_21 = arith.constant 0 : index
    %get3A_22 = arith.constant 0 : index
    %get3A_23 = vector.load %arg6[%get3A_21, %get3A_22] : memref<1x128xf32, #tpu.memory_space<vmem>>, vector<1x128xf32>
    %add3A_24 = vector.broadcast %get3A_23 : vector<1x128xf32> to vector<1000x128xf32>
    %add3A_25 = arith.addf %dot_general3A_20, %add3A_24 : vector<1000x128xf32>
    %mul3A = arith.mulf %add3A_10, %add3A_25 : vector<1000x128xf32>
    %max3A = arith.constant 0.000000e+00 : f32
    %max3A_26 = vector.broadcast %max3A : f32 to vector<1000x128xf32>
    %max3A_27 = arith.maximumf %mul3A, %max3A_26 : vector<1000x128xf32>
    %swap3A = arith.constant 0 : index
    %swap3A_28 = arith.constant 0 : index
    %swap3A_29 = vector.load %arg7[%swap3A, %swap3A_28] : memref<1000x128xf32, #tpu.memory_space<vmem>>, vector<1000x128xf32>
    tpu.vector_store %arg7[%swap3A, %swap3A_28], %max3A_27 {strides = array<i32>} : memref<1000x128xf32, #tpu.memory_space<vmem>>, vector<1000x128xf32>,
    %convert_element_type3A_30 = arith.truncf %max3A_27 : vector<1000x128xf32> to vector<1000x128xbf16>
    %swap3A_31 = arith.constant 0 : index
    %swap3A_32 = arith.constant 0 : index
    %swap3A_33 = vector.load %arg8[%swap3A_31, %swap3A_32] : memref<1000x128xbf16, #tpu.memory_space<vmem>>, vector<1000x128xbf16>
    tpu.vector_store %arg8[%swap3A_31, %swap3A_32], %convert_element_type3A_30 {strides = array<i32>} : memref<1000x128xbf16, #tpu.memory_space<vmem>>, vector<1000x128xbf16>,
    return
  }
  func.func @transform_0(%arg0: i32) -> (i32, i32) {
    %c0_i32 = arith.constant 0 : i32
    %c0_i32_0 = arith.constant 0 : i32
    return %arg0, %c0_i32 : i32, i32
  }
  func.func @transform_1(%arg0: i32) -> (i32, i32) {
    %c0_i32 = arith.constant 0 : i32
    %c0_i32_0 = arith.constant 0 : i32
    return %arg0, %c0_i32 : i32, i32
  }
  func.func @transform_2(%arg0: i32) -> (i32, i32) {
    %c0_i32 = arith.constant 0 : i32
    %c0_i32_0 = arith.constant 0 : i32
    %c0_i32_1 = arith.constant 0 : i32
    return %c0_i32, %c0_i32_0 : i32, i32
  }
  func.func @transform_3(%arg0: i32) -> (i32, i32) {
    %c0_i32 = arith.constant 0 : i32
    %c0_i32_0 = arith.constant 0 : i32
    %c0_i32_1 = arith.constant 0 : i32
    return %c0_i32, %c0_i32_0 : i32, i32
  }
  func.func @transform_4(%arg0: i32) -> (i32, i32) {
    %c0_i32 = arith.constant 0 : i32
    %c0_i32_0 = arith.constant 0 : i32
    %c0_i32_1 = arith.constant 0 : i32
    return %c0_i32, %c0_i32_0 : i32, i32
  }
  func.func @transform_5(%arg0: i32) -> (i32, i32) {
    %c0_i32 = arith.constant 0 : i32
    %c0_i32_0 = arith.constant 0 : i32
    %c0_i32_1 = arith.constant 0 : i32
    return %c0_i32, %c0_i32_0 : i32, i32
  }
  func.func @transform_6(%arg0: i32) -> (i32, i32) {
    %c0_i32 = arith.constant 0 : i32
    %c0_i32_0 = arith.constant 0 : i32
    return %arg0, %c0_i32 : i32, i32
  }
  func.func @transform_7(%arg0: i32) -> (i32, i32) {
    %c0_i32 = arith.constant 0 : i32
    %c0_i32_0 = arith.constant 0 : i32
    return %arg0, %c0_i32 : i32, i32
  }
}

module attributes {stable_mosaic.version = 14 : i64} {
  func.func @_tc_b_body(%arg0: i32, %arg1: memref<1000x128xf32, #tpu.memory_space<vmem>>, %arg2: memref<1000x128xf32, #tpu.memory_space<vmem>>, %arg3: memref<1000x128xf32, #tpu.memory_space<vmem>>, %arg4: memref<1000x128xf32, #tpu.memory_space<vmem>>, %arg5: memref<128x128xf32, #tpu.memory_space<vmem>>, %arg6: memref<1x128xf32, #tpu.memory_space<vmem>>, %arg7: memref<128x128xf32, #tpu.memory_space<vmem>>, %arg8: memref<1x128xf32, #tpu.memory_space<vmem>>, %arg9: memref<256x128xf32, #tpu.memory_space<vmem>>, %arg10: memref<1x256xf32, #tpu.memory_space<vmem>>, %arg11: memref<128x256xf32, #tpu.memory_space<vmem>>, %arg12: memref<1x128xf32, #tpu.memory_space<vmem>>, %arg13: memref<1000x128xf32, #tpu.memory_space<vmem>>) attributes {dimension_semantics = [#tpu.dimension_semantics<arbitrary>], iteration_bounds = array<i64: 10>, scalar_prefetch = 0 : i64, scratch_operands = 0 : i64, tpu.core_type = #tpu.core_type<tc>, window_params = [{transform_indices = @transform_0, window_bounds = array<i64: 1000, 128>}, {transform_indices = @transform_1, window_bounds = array<i64: 1000, 128>}, {transform_indices = @transform_2, window_bounds = array<i64: 1000, 128>}, {transform_indices = @transform_3, window_bounds = array<i64: 1000, 128>}, {pipeline_mode = #tpu.pipeline_mode<synchronous>, transform_indices = @transform_4, window_bounds = array<i64: 128, 128>}, {pipeline_mode = #tpu.pipeline_mode<synchronous>, transform_indices = @transform_5, window_bounds = array<i64: 1, 128>}, {pipeline_mode = #tpu.pipeline_mode<synchronous>, transform_indices = @transform_6, window_bounds = array<i64: 128, 128>}, {pipeline_mode = #tpu.pipeline_mode<synchronous>, transform_indices = @transform_7, window_bounds = array<i64: 1, 128>}, {pipeline_mode = #tpu.pipeline_mode<synchronous>, transform_indices = @transform_8, window_bounds = array<i64: 256, 128>}, {pipeline_mode = #tpu.pipeline_mode<synchronous>, transform_indices = @transform_9, window_bounds = array<i64: 1, 256>}, {pipeline_mode = #tpu.pipeline_mode<synchronous>, transform_indices = @transform_10, window_bounds = array<i64: 128, 256>}, {pipeline_mode = #tpu.pipeline_mode<synchronous>, transform_indices = @transform_11, window_bounds = array<i64: 1, 128>}, {transform_indices = @transform_12, window_bounds = array<i64: 1000, 128>}]} {
    %get3A = arith.constant 0 : index
    %get3A_0 = arith.constant 0 : index
    %get3A_1 = vector.load %arg2[%get3A, %get3A_0] : memref<1000x128xf32, #tpu.memory_space<vmem>>, vector<1000x128xf32>
    %get3A_2 = arith.constant 0 : index
    %get3A_3 = arith.constant 0 : index
    %get3A_4 = vector.load %arg5[%get3A_2, %get3A_3] : memref<128x128xf32, #tpu.memory_space<vmem>>, vector<128x128xf32>
    %convert_element_type3A = arith.truncf %get3A_1 : vector<1000x128xf32> to vector<1000x128xbf16>
    %convert_element_type3A_5 = arith.truncf %get3A_4 : vector<128x128xf32> to vector<128x128xbf16>
    %dot_general3A = arith.constant dense<0.000000e+00> : vector<1000x128xf32>
    %dot_general3A_6 = tpu.matmul %convert_element_type3A, %convert_element_type3A_5, %dot_general3A {dimension_numbers = #tpu.dot_dimension_numbers<[1], [1], [0], [0], [0, 0, 1, 0], [], []>, transpose_lhs_hint = false} : vector<1000x128xbf16>, vector<128x128xbf16>, vector<1000x128xf32> -> vector<1000x128xf32>
    %get3A_7 = arith.constant 0 : index
    %get3A_8 = arith.constant 0 : index
    %get3A_9 = vector.load %arg6[%get3A_7, %get3A_8] : memref<1x128xf32, #tpu.memory_space<vmem>>, vector<1x128xf32>
    %add3A = vector.broadcast %get3A_9 : vector<1x128xf32> to vector<1000x128xf32>
    %add3A_10 = arith.addf %dot_general3A_6, %add3A : vector<1000x128xf32>
    %get3A_11 = arith.constant 0 : index
    %get3A_12 = arith.constant 0 : index
    %get3A_13 = vector.load %arg1[%get3A_11, %get3A_12] : memref<1000x128xf32, #tpu.memory_space<vmem>>, vector<1000x128xf32>
    %add3A_14 = arith.addf %get3A_13, %add3A_10 : vector<1000x128xf32>
    %get3A_15 = arith.constant 0 : index
    %get3A_16 = arith.constant 0 : index
    %get3A_17 = vector.load %arg3[%get3A_15, %get3A_16] : memref<1000x128xf32, #tpu.memory_space<vmem>>, vector<1000x128xf32>
    %add3A_18 = arith.addf %add3A_14, %get3A_17 : vector<1000x128xf32>
    %get3A_19 = arith.constant 0 : index
    %get3A_20 = arith.constant 0 : index
    %get3A_21 = vector.load %arg7[%get3A_19, %get3A_20] : memref<128x128xf32, #tpu.memory_space<vmem>>, vector<128x128xf32>
    %convert_element_type3A_22 = arith.truncf %add3A_18 : vector<1000x128xf32> to vector<1000x128xbf16>
    %convert_element_type3A_23 = arith.truncf %get3A_21 : vector<128x128xf32> to vector<128x128xbf16>
    %dot_general3A_24 = arith.constant dense<0.000000e+00> : vector<1000x128xf32>
    %dot_general3A_25 = tpu.matmul %convert_element_type3A_22, %convert_element_type3A_23, %dot_general3A_24 {dimension_numbers = #tpu.dot_dimension_numbers<[1], [1], [0], [0], [0, 0, 1, 0], [], []>, transpose_lhs_hint = false} : vector<1000x128xbf16>, vector<128x128xbf16>, vector<1000x128xf32> -> vector<1000x128xf32>
    %get3A_26 = arith.constant 0 : index
    %get3A_27 = arith.constant 0 : index
    %get3A_28 = vector.load %arg8[%get3A_26, %get3A_27] : memref<1x128xf32, #tpu.memory_space<vmem>>, vector<1x128xf32>
    %add3A_29 = vector.broadcast %get3A_28 : vector<1x128xf32> to vector<1000x128xf32>
    %add3A_30 = arith.addf %dot_general3A_25, %add3A_29 : vector<1000x128xf32>
    %max3A = arith.constant 0.000000e+00 : f32
    %max3A_31 = vector.broadcast %max3A : f32 to vector<1000x128xf32>
    %max3A_32 = arith.maximumf %add3A_30, %max3A_31 : vector<1000x128xf32>
    %get3A_33 = arith.constant 0 : index
    %get3A_34 = arith.constant 0 : index
    %get3A_35 = vector.load %arg4[%get3A_33, %get3A_34] : memref<1000x128xf32, #tpu.memory_space<vmem>>, vector<1000x128xf32>
    %add3A_36 = arith.addf %max3A_32, %get3A_35 : vector<1000x128xf32>
    %get3A_37 = arith.constant 0 : index
    %get3A_38 = arith.constant 0 : index
    %get3A_39 = vector.load %arg9[%get3A_37, %get3A_38] : memref<256x128xf32, #tpu.memory_space<vmem>>, vector<256x128xf32>
    %convert_element_type3A_40 = arith.truncf %add3A_36 : vector<1000x128xf32> to vector<1000x128xbf16>
    %convert_element_type3A_41 = arith.truncf %get3A_39 : vector<256x128xf32> to vector<256x128xbf16>
    %dot_general3A_42 = arith.constant dense<0.000000e+00> : vector<1000x256xf32>
    %dot_general3A_43 = tpu.matmul %convert_element_type3A_40, %convert_element_type3A_41, %dot_general3A_42 {dimension_numbers = #tpu.dot_dimension_numbers<[1], [1], [0], [0], [0, 0, 1, 0], [], []>, transpose_lhs_hint = false} : vector<1000x128xbf16>, vector<256x128xbf16>, vector<1000x256xf32> -> vector<1000x256xf32>
    %get3A_44 = arith.constant 0 : index
    %get3A_45 = arith.constant 0 : index
    %get3A_46 = vector.load %arg10[%get3A_44, %get3A_45] : memref<1x256xf32, #tpu.memory_space<vmem>>, vector<1x256xf32>
    %add3A_47 = vector.broadcast %get3A_46 : vector<1x256xf32> to vector<1000x256xf32>
    %add3A_48 = arith.addf %dot_general3A_43, %add3A_47 : vector<1000x256xf32>
    %max3A_49 = arith.constant 0.000000e+00 : f32
    %max3A_50 = vector.broadcast %max3A_49 : f32 to vector<1000x256xf32>
    %max3A_51 = arith.maximumf %add3A_48, %max3A_50 : vector<1000x256xf32>
    %get3A_52 = arith.constant 0 : index
    %get3A_53 = arith.constant 0 : index
    %get3A_54 = vector.load %arg11[%get3A_52, %get3A_53] : memref<128x256xf32, #tpu.memory_space<vmem>>, vector<128x256xf32>
    %convert_element_type3A_55 = arith.truncf %max3A_51 : vector<1000x256xf32> to vector<1000x256xbf16>
    %convert_element_type3A_56 = arith.truncf %get3A_54 : vector<128x256xf32> to vector<128x256xbf16>
    %dot_general3A_57 = arith.constant dense<0.000000e+00> : vector<1000x128xf32>
    %dot_general3A_58 = tpu.matmul %convert_element_type3A_55, %convert_element_type3A_56, %dot_general3A_57 {dimension_numbers = #tpu.dot_dimension_numbers<[1], [1], [0], [0], [0, 0, 1, 0], [], []>, transpose_lhs_hint = false} : vector<1000x256xbf16>, vector<128x256xbf16>, vector<1000x128xf32> -> vector<1000x128xf32>
    %get3A_59 = arith.constant 0 : index
    %get3A_60 = arith.constant 0 : index
    %get3A_61 = vector.load %arg12[%get3A_59, %get3A_60] : memref<1x128xf32, #tpu.memory_space<vmem>>, vector<1x128xf32>
    %add3A_62 = vector.broadcast %get3A_61 : vector<1x128xf32> to vector<1000x128xf32>
    %add3A_63 = arith.addf %dot_general3A_58, %add3A_62 : vector<1000x128xf32>
    %swap3A = arith.constant 0 : index
    %swap3A_64 = arith.constant 0 : index
    %swap3A_65 = vector.load %arg13[%swap3A, %swap3A_64] : memref<1000x128xf32, #tpu.memory_space<vmem>>, vector<1000x128xf32>
    tpu.vector_store %arg13[%swap3A, %swap3A_64], %add3A_63 {strides = array<i32>} : memref<1000x128xf32, #tpu.memory_space<vmem>>, vector<1000x128xf32>,
    return
  }
  func.func @transform_0(%arg0: i32) -> (i32, i32) {
    %c0_i32 = arith.constant 0 : i32
    %c0_i32_0 = arith.constant 0 : i32
    return %arg0, %c0_i32 : i32, i32
  }
  func.func @transform_1(%arg0: i32) -> (i32, i32) {
    %c0_i32 = arith.constant 0 : i32
    %c0_i32_0 = arith.constant 0 : i32
    return %arg0, %c0_i32 : i32, i32
  }
  func.func @transform_2(%arg0: i32) -> (i32, i32) {
    %c0_i32 = arith.constant 0 : i32
    %c0_i32_0 = arith.constant 0 : i32
    return %arg0, %c0_i32 : i32, i32
  }
  func.func @transform_3(%arg0: i32) -> (i32, i32) {
    %c0_i32 = arith.constant 0 : i32
    %c0_i32_0 = arith.constant 0 : i32
    return %arg0, %c0_i32 : i32, i32
  }
  func.func @transform_4(%arg0: i32) -> (i32, i32) {
    %c0_i32 = arith.constant 0 : i32
    %c0_i32_0 = arith.constant 0 : i32
    %c0_i32_1 = arith.constant 0 : i32
    return %c0_i32, %c0_i32_0 : i32, i32
  }
  func.func @transform_5(%arg0: i32) -> (i32, i32) {
    %c0_i32 = arith.constant 0 : i32
    %c0_i32_0 = arith.constant 0 : i32
    %c0_i32_1 = arith.constant 0 : i32
    return %c0_i32, %c0_i32_0 : i32, i32
  }
  func.func @transform_6(%arg0: i32) -> (i32, i32) {
    %c0_i32 = arith.constant 0 : i32
    %c0_i32_0 = arith.constant 0 : i32
    %c0_i32_1 = arith.constant 0 : i32
    return %c0_i32, %c0_i32_0 : i32, i32
  }
  func.func @transform_7(%arg0: i32) -> (i32, i32) {
    %c0_i32 = arith.constant 0 : i32
    %c0_i32_0 = arith.constant 0 : i32
    %c0_i32_1 = arith.constant 0 : i32
    return %c0_i32, %c0_i32_0 : i32, i32
  }
  func.func @transform_8(%arg0: i32) -> (i32, i32) {
    %c0_i32 = arith.constant 0 : i32
    %c0_i32_0 = arith.constant 0 : i32
    %c0_i32_1 = arith.constant 0 : i32
    return %c0_i32, %c0_i32_0 : i32, i32
  }
  func.func @transform_9(%arg0: i32) -> (i32, i32) {
    %c0_i32 = arith.constant 0 : i32
    %c0_i32_0 = arith.constant 0 : i32
    %c0_i32_1 = arith.constant 0 : i32
    return %c0_i32, %c0_i32_0 : i32, i32
  }
  func.func @transform_10(%arg0: i32) -> (i32, i32) {
    %c0_i32 = arith.constant 0 : i32
    %c0_i32_0 = arith.constant 0 : i32
    %c0_i32_1 = arith.constant 0 : i32
    return %c0_i32, %c0_i32_0 : i32, i32
  }
  func.func @transform_11(%arg0: i32) -> (i32, i32) {
    %c0_i32 = arith.constant 0 : i32
    %c0_i32_0 = arith.constant 0 : i32
    %c0_i32_1 = arith.constant 0 : i32
    return %c0_i32, %c0_i32_0 : i32, i32
  }
  func.func @transform_12(%arg0: i32) -> (i32, i32) {
    %c0_i32 = arith.constant 0 : i32
    %c0_i32_0 = arith.constant 0 : i32
    return %arg0, %c0_i32 : i32, i32
  }
}

</mosaic_0001>

<sc_bundles>
// kernel: kernel.5.cloned.1.call-start
scs
__scs_entry_jumppad:
0x0: {  	(pc) =	sbr.rel $0x88, $3  }
0x1: {  	(tag) =	ssettag $0x0;
	lr =	simm.s32 $0x1  }
0x2: {  	[smem:$0x3F92] =	sst lr;
	_ =	strace $0xD0000000  }
0x3: {  	_ = 	snop  }
0x4: {  	_ = 	snop  }
0x5: {  	_ = 	snop  }
0x6: {  	_ = 	snop  }
0x7: {  	_ = 	snop  }
__scs_overlays_trampoline_lowered:
0x8: {  	[smem:$0x3FA1] =	sst s0  }
0x9: {  	[smem:$0x3FA2] =	sst s1  }
0xa: {  	[smem:$0x3FA3] =	sst s2  }
0xb: {  	[smem:$0x3FA4] =	sst s3  }
0xc: {  	[smem:$0x3FA5] =	sst s4  }
0xd: {  	[smem:$0x3FA6] =	sst s5  }
0xe: {  	[smem:$0x3FA7] =	sst s6  }
0xf: {  	[smem:$0x3FA8] =	sst s7  }
0x10: {  	[smem:$0x3FA9] =	sst s8  }
0x11: {  	[smem:$0x3FAA] =	sst s9;
	s0 =	simm.s32 @!p0 $0x0  }
0x12: {  	s1 =	sld [smem:$0x3F90];
	s0 =	simm.s32 @p0 $0x1  }
0x13: {  	[smem:$0x3FAB] =	sst s0;
	s0 =	simm.s32 @!p1 $0x0  }
0x14: {  	s2 =	sld [smem:$0x3F8F];
	s0 =	simm.s32 @p1 $0x1  }
0x15: {  	[smem:$0x3FAC] =	sst s0;
	s0 =	simm.s32 @!p2 $0x0  }
0x16: {  	s3 =	sld [smem:$0x3FDB];
	s0 =	simm.s32 @p2 $0x1  }
0x17: {  	s4 =	simm.s32 $0x1BF5;
	[smem:$0x3FAE] =	sst s0  }
0x18: {  	s0 =	sld [smem:$0x3F91];
	_ =	swait.ge [sflag:s4], $0x0  }
0x19: {  	s7 =	sld [smem:$0x3F92]  }
0x1a: {  	s8 =	sadd.s32 $0xFFFFE003, lr  }
0x1b: {  	s9 =	sadd.s32 $0xFFFFFEF7, lr;
	s5 =	simm.s32 $0xFFFFFFFF;
	p2 =	slt.u32 s8, $0xFFFFF086  }
0x1c: {  	p1 =	slt.u32 s9, $0xF7A;
	s5 =	simm.s32 @!p2 $0x0  }
0x1d: {  	s5 =	simm.s32 @p1 $0x1;
	p0 =	seq.s32 s7, s2  }
0x1e: {  	s7 =	smul.u32 @!p0 $0xF7A, s2;
	p2 =	seq.s32 @!p0 s5, $0x0  }
0x1f: {  	s9 =	smul.u32 $0xF7A, s1;
	s8 =	simm.s32 @!p0 $0x1BF5;
	p2 =	por !p2, p0  }
0x20: {  	[sflag:s8] =	ssyncset.s32 @!p0 $0xFFFFF086;
	s6 =	sadd.s32 @!p0 s3, s7;
	s7 =	simm.s32 @!p0 $0x108  }
0x21: {  	s3 =	sadd.s32 s3, s9;
	s6 =	sadd.s32 @!p0 $0x88, s6;
	s7 =	simm.s32 @p2 $0x1082  }
0x22: {  	[simem:s7], [sflag:s8] =	dma.local @!p0 [hbm:s6], $0xF7A  }
0x23: {  	s9 =	sor.u32 $0xD0000000, s2;
	s6 =	simm.s32 $0x108;
	_ =	swait.ge @!p0 [sflag:s8], $0x0  }
0x24: {  	s3 =	sadd.s32 $0x88, s3;
	s6 =	simm.s32 @!p1 $0x1082;
	[sflag:s4] =	ssyncset.s32 $0xFFFFF086  }
0x25: {  	[simem:s6], [sflag:s4] =	dma.local [hbm:s3], $0xF7A  }
0x26: {  	[smem:$0x3F92] =	sst s1;
	(tag) =	ssettag s2;
	_ =	strace s9  }
0x27: {  	s1 =	sld [smem:$0x3FA2]  }
0x28: {  	s2 =	sld [smem:$0x3FA3]  }
0x29: {  	s4 =	sld [smem:$0x3FA5]  }
0x2a: {  	p0 =	seq.s32 s5, $0x0;
	s5 =	sld [smem:$0x3FA6]  }
0x2b: {  	s6 =	sld [smem:$0x3FA7]  }
0x2c: {  	s7 =	sld [smem:$0x3FA8]  }
0x2d: {  	s3 =	simm.s32 $0x108;
	s8 =	sld [smem:$0x3FA9]  }
0x2e: {  	s3 =	simm.s32 @!p0 $0x1082;
	s9 =	sld [smem:$0x3FAA]  }
0x2f: {  	lr =	sadd.s32 s0, s3;
	s0 =	sld [smem:$0x3FA1]  }
0x30: {  	s3 =	sld [smem:$0x3FA4]  }
0x31: {  	[smem:$0x3FAD] =	sst s10  }
0x32: {  	s10 =	sld [smem:$0x3FAB];
	_ =	sdelay $0x3  }
0x33: {  	p0 =	seq.s32 s10, $0x1;
	s10 =	sld [smem:$0x3FAD];
	_ =	sdelay $0x3  }
0x34: {  	[smem:$0x3FAD] =	sst s10  }
0x35: {  	s10 =	sld [smem:$0x3FAC];
	_ =	sdelay $0x3  }
0x36: {  	p1 =	seq.s32 s10, $0x1;
	s10 =	sld [smem:$0x3FAD];
	_ =	sdelay $0x3  }
0x37: {  	[smem:$0x3FAD] =	sst s10  }
0x38: {  	s10 =	sld [smem:$0x3FAE]  }
0x39: {  	_ = 	snop;
	(pc) =	sbr.ind lr, $3  }
0x3a: {  	_ = 	snop  }
0x3b: {  	_ = 	snop  }
0x3c: {  	p2 =	seq.s32 s10, $0x1;
	s10 =	sld [smem:$0x3FAD]  }
0x3d: {  	_ =	shalt  }
0x3e: {  	_ =	shalt  }
0x3f: {  	_ =	shalt  }
0x40: {  	_ =	shalt  }
0x41: {  	_ =	shalt  }
0x42: {  	_ =	shalt  }
0x43: {  	_ =	shalt  }
0x44: {  	_ =	shalt  }
0x45: {  	_ =	shalt  }
0x46: {  	_ =	shalt  }
0x47: {  	_ =	shalt  }
0x48: {  	_ =	shalt  }
0x49: {  	_ =	shalt  }
0x4a: {  	_ =	shalt  }
0x4b: {  	_ =	shalt  }
0x4c: {  	_ =	shalt  }
0x4d: {  	_ =	shalt  }
0x4e: {  	_ =	shalt  }
0x4f: {  	_ =	shalt  }
0x50: {  	_ =	shalt  }
0x51: {  	_ =	shalt  }
0x52: {  	_ =	shalt  }
0x53: {  	_ =	shalt  }
0x54: {  	_ =	shalt  }
0x55: {  	_ =	shalt  }
0x56: {  	_ =	shalt  }
0x57: {  	_ =	shalt  }
0x58: {  	_ =	shalt  }
0x59: {  	_ =	shalt  }
0x5a: {  	_ =	shalt  }
0x5b: {  	_ =	shalt  }
0x5c: {  	_ =	shalt  }
0x5d: {  	_ =	shalt  }
0x5e: {  	_ =	shalt  }
0x5f: {  	_ =	shalt  }
0x60: {  	_ =	shalt  }
0x61: {  	_ =	shalt  }
0x62: {  	_ =	shalt  }
0x63: {  	_ =	shalt  }
0x64: {  	_ =	shalt  }
0x65: {  	_ =	shalt  }
0x66: {  	_ =	shalt  }
0x67: {  	_ =	shalt  }
0x68: {  	_ =	shalt  }
0x69: {  	_ =	shalt  }
0x6a: {  	_ =	shalt  }
0x6b: {  	_ =	shalt  }
0x6c: {  	_ =	shalt  }
0x6d: {  	_ =	shalt  }
0x6e: {  	_ =	shalt  }
0x6f: {  	_ =	shalt  }
0x70: {  	_ =	shalt  }
0x71: {  	_ =	shalt  }
0x72: {  	_ =	shalt  }
0x73: {  	_ =	shalt  }
0x74: {  	_ =	shalt  }
0x75: {  	_ =	shalt  }
0x76: {  	_ =	shalt  }
0x77: {  	_ =	shalt  }
0x78: {  	_ =	shalt  }
0x79: {  	_ =	shalt  }
0x7a: {  	_ =	shalt  }
0x7b: {  	_ =	shalt  }
0x7c: {  	_ =	shalt  }
0x7d: {  	_ =	shalt  }
0x7e: {  	_ =	shalt  }
0x7f: {  	_ =	shalt  }
0x80: {  	_ =	shalt  }
0x81: {  	_ =	shalt  }
0x82: {  	_ =	shalt  }
0x83: {  	_ =	shalt  }
0x84: {  	_ =	shalt  }
0x85: {  	_ =	shalt  }
0x86: {  	_ =	shalt  }
0x87: {  	_ =	shalt  }
.Lfunc_end0:
.L_simem_size_0:
called_computation_lowered:
.L_overlay_start_0:
0x88: {  	s2 =	sld [smem:$0x3FD9]  }
0x89: {  	s3 =	sld [smem:$0x3FFE];
	_ =	sdelay $0x1  }
0x8a: {  	s1 =	srdreg.scid  }
0x8b: {  	s0 =	sand.u32 $0x1, s1  }
0x8c: {  	s17 =	sshll.u32 s0, $0xA;
	s2 =	sadd.s32 s3, s2  }
0x8d: {  	s2 =	sadd.s32 s2, s17  }
0x8e: {  	[smem:$0x3FB9] =	sst s2  }
0x8f: {  	_ = 	snop  }
0x90: {  	s2 =	sld [smem:$0x3FD0];
	(tm) =	ssettm $0x1  }
0x91: {  	s18 =	sld [smem:$0x3FFB];
	_ =	sdelay $0x3  }
0x92: {  	_ =	strace s18  }
0x93: {  	s3 =	sld [smem:$0x3FFC];
	_ =	sdelay $0x3  }
0x94: {  	_ =	strace s3  }
0x95: {  	s3 =	sld [smem:$0x3FFD];
	_ =	sdelay $0x3  }
0x96: {  	_ =	strace s3  }
0x97: {  	_ =	strace $0x8FFFFFFF  }
0x98: {  	s19 =	sld [smem:$0x3FDB];
	_ =	sdelay $0x1  }
0x99: {  	s4 =	simm.s32 $_scs_section_size  }
0x9a: {  	s5 =	simm.s32 $_size__tile_overlayer_lowered;
	s6 =	simm.s32 $_tile_overlayer_lowered  }
0x9b: {  	s22 =	simm.s32 $0x1BFF;
	s21 =	sshll.u32 s6, $0x1;
	s3 =	sadd.s32 s4, s19  }
0x9c: {  	s7 =	simm.s32 $0x0;
	s20 =	sshll.u32 s5, $0x1;
	s5 =	sadd.s32 s21, s3  }
0x9d: {  	[timem:s7], [sflag:s22] =	dma.local [hbm:s5], s20  }
0x9e: {  	_ =	swait.ge [sflag:s22], s20  }
0x9f: {  	s4 =	ssub.s32 $0x0, s20;
	[sflag:s22] =	ssyncset.done $0x0  }
0xa0: {  	[sflag:s22] =	ssyncadd.s32 s4;
	_ =	sdelay $0x1  }
0xa1: {  	s23 =	simm.s32 $0x1B8B  }
0xa2: {  	_ =	swait.ge [sflag:s23], $0x1  }
0xa3: {  	[sflag:s23] =	ssyncset.done $0x0  }
0xa4: {  	s25 =	simm.s32 $0x1B8E;
	s24 =	sld [smem:$0x3FFE];
	[sflag:s23] =	ssyncadd.s32 $0xFFFFFFFF  }
0xa5: {  	s26 =	simm.s32 $execute0_lowered;
	[smem:$0x3FD2] =	sst s25  }
0xa6: {  	s5 =	sshll.u32 s26, $0x1;
	_ =	strace $0x80000046;
	[dreg:$0x1] =	wrdreg $0xFFFFFFFF  }
0xa7: {  	s28 =	simm.s32 $_size_execute0_lowered;
	s3 =	sadd.s32 s3, s5;
	[dreg:$0x0] =	wrdreg $0x0  }
0xa8: {  	s5 =	sshll.u32 s28, $0x1;
	[dreg:$0x2] =	wrdreg s3  }
0xa9: {  	[dreg:$0x3] =	wrdreg s5  }
0xaa: {  	[dreg:$0x4] =	wrdreg $0xC0  }
0xab: {  	_ =	task [dreg:s7], $0x5FFFF  }
0xac: {  	[dreg:$0x1] =	wrdreg $0xFFFFFFFF  }
0xad: {  	[dreg:$0x0] =	wrdreg $0x60  }
0xae: {  	[dreg:$0x2] =	wrdreg s2  }
0xaf: {  	[dreg:$0x3] =	wrdreg s24  }
0xb0: {  	[dreg:$0x4] =	wrdreg $0x90000  }
0xb1: {  	[dreg:$0x5] =	wrdreg $0x9  }
0xb2: {  	_ =	task.clear_ibuf [dreg:s7], $0x6FFFF;
	_ =	strace $0x90000046  }
0xb3: {  	s29 =	simm.s32 $0x9;
	_ =	strace $0x80000048  }
0xb4: {  	_ =	swait.ge [sflag:s29], $0x1  }
0xb5: {  	[sflag:s29] =	ssyncadd.s32 $0xFFFFFFFF  }
0xb6: {  	_ =	strace $0x90000048  }
0xb7: {  	_ =	sfence  }
0xb8: {  	s30 =	sld [smem:$0x0];
	_ =	sdelay $0x2  }
0xb9: {  	s31 =	sshll.u32 s1, $0xD;
	s1 =	sshrl.u32 s1, $0x2  }
0xba: {  	s3 =	sand.u32 $0x4000, s31;
	s1 =	sadd.s32 s1, s30  }
0xbb: {  	s0 =	sor.u32 s3, s0;
	s1 =	sshll.u32 s1, $0x11  }
0xbc: {  	s0 =	sor.u32 s1, s0  }
0xbd: {  	s0 =	sadd.s32 $0x8F2B, s0  }
0xbe: {  	[sflag:s0] =	ssyncadd.remote.s32 $0x1  }
0xbf: {  	_ =	sfence.sel $0xFFFF  }
0xc0: {  	[dreg:$0x0] =	wrdreg $0xFFFFFFFF;
	(pc) =	sbr.abs _section_cstart, $3  }
0xc1: {  	[dreg:$0x1] =	wrdreg $0xFFFFFFFF  }
0xc2: {  	_ =	task.clear_ibuf [dreg:s7], $0x2FFFF;
	_ =	strace $0x9FFFFFFF  }
0xc3: {  	(tm) =	ssettm $0x7FFFFFFF  }
tec
execute0_lowered:
.L_overlay_start_1:
0x0: {  	(tag) =	ssettag $0x1  }
0x1: {  	s1 =	rddreg [dreg:$0x0]  }
0x2: {  	s6 =	rddreg [dreg:$0x1]  }
0x3: {  	s3 =	rddreg [dreg:$0x2]  }
0x4: {  	s0 =	rddreg [dreg:$0x3]  }
0x5: {  	s4 =	srdreg.scid;
	s2 =	stileid.u32;
	s14 =	simm.s32 $0x80  }
0x6: {  	s15 =	simm.s32 $0x5000;
	s16 =	simm.s32 $0x7000;
	s17 =	simm.s32 $0x1  }
0x7: {  	s18 =	simm.s32 $0x2;
	s19 =	simm.s32 $0x2780;
	s20 =	simm.s32 $0x4F00  }
0x8: {  	s21 =	simm.s32 $0x4F80;
	s22 =	simm.s32 $0x0;
	s5 =	sand.u32 $0x1, s4  }
0x9: {  	s7 =	sshll.u32 s2, $0x1;
	s8 =	smul.u32 $0x14000, s2;
	s4 =	simm.s32 $0x0  }
0xa: {  	s31 =	sshll.u32 s2, $0x6;
	s7 =	sor.u32 s5, s7;
	s9 =	smul.u32 $0x140000, s5  }
0xb: {  	[smem:$0x7FF] =	sst s4;
	s28 =	ssub.s32 $0x2, s5;
	s5 =	sadd.s32 $0x1C00, s6  }
0xc: {  	s7 =	smul.u32 $0x500, s7;
	_ =	strace $0x80000047;
	s29 =	sshrl.u32 s28, $0x1  }
0xd: {  	s30 =	sshrl.u32 s8, $0x1;
	s9 =	sadd.s32 s8, s9;
	s12 =	ssub.s32 s28, s29  }
0xe: {  	s13 =	sadd.s32 s30, s3;
	s10 =	sadd.s32 s7, s6;
	s26 =	sshrl.u32 s9, $0x4  }
0xf: {  	s11 =	sadd.s32 s26, s6;
	s6 =	sor.u32 $0x1C03, s31;
	s7 =	sadd.s32 $0x3000, s10  }
0x10: {  	s8 =	sadd.s32 $0xD000, s10;
	s10 =	smax.u32 s12, $0x1;
	s12 =	simm.s32 $0x3  }
0x11: {  	s9 =	sadd.s32 $0x17000, s11;
	s11 =	sshrl.u32 s13, $0x3;
	s13 =	simm.s32 $0x2800  }
.LBB2_1:
0x12: {  	[spmem:s11], [sflag:s6] =	dma.local [hbm:s5], $0x1400  }
0x13: {  	_ =	swait.ge [sflag:s12], $0x1400  }
0x14: {  	[sflag:s12] =	ssyncset.done $0x0  }
0x15: {  	[sflag:s12] =	ssyncadd.s32 $0xFFFFEC00  }
0x16: {  	[tilespmem:s4], [sflag:$0x3] =	stream.linear.gather [hbm4b:s7+s4], $0x2800, $0x38;
	[tilespmem:$0x13000] =	vst v63  }
0x17: {  	_ =	swait.ge [sflag:s12], $0x2800  }
0x18: {  	[sflag:s12] =	ssyncset.done $0x0  }
0x19: {  	[sflag:s12] =	ssyncadd.s32 $0xFFFFD800  }
0x1a: {  	[tilespmem:s13], [sflag:$0x3] =	stream.linear.gather [hbm4b:s8+s4], $0x2800, $0x38;
	[tilespmem:$0x13000] =	vst v63  }
0x1b: {  	_ =	swait.ge [sflag:s12], $0x2800  }
0x1c: {  	[sflag:s12] =	ssyncset.done $0x0  }
0x1d: {  	[sflag:s12] =	ssyncadd.s32 $0xFFFFD800  }
0x1e: {  	[bflag:$0x0] =	sbarrier.arrive $0xFFFF  }
0x1f: {  	[tilespmem:s15], [sflag:$0x1] =	stream.indirect.gather [hbm4b:s1+s14], $0x40, s4, s14, $0xb8;
	[tilespmem:$0x13000] =	vst v63  }
0x20: {  	s23 =	simm.s32 $0x80  }
0x21: {  	[tilespmem:s16], [sflag:$0x2] =	stream.indirect.gather [hbm4b:s1+s14], $0x40, s23, s14, $0xb8;
	[tilespmem:$0x13000] =	vst v63  }
0x22: {  	_ =	swait.ge [sflag:s17], $0x2000  }
0x23: {  	[sflag:s17] =	ssyncset.done $0x0  }
0x24: {  	s29 =	simm.s32 $0x2800;
	[sflag:s17] =	ssyncadd.s32 $0xFFFFE000  }
0x25: {  	[spmem:s3] =	stream.indirect.scatter.add.bf16 [tilespmem:s15], [sflag:$0x3], $0x40, s29, s14, $0xb8;
	[tilespmem:$0x13000] =	vst v63  }
0x26: {  	_ =	swait.ge [sflag:s12], $0x2000  }
0x27: {  	[sflag:s12] =	ssyncset.done $0x0  }
0x28: {  	s30 =	simm.s32 $0x100;
	[sflag:s12] =	ssyncadd.s32 $0xFFFFE000  }
0x29: {  	[tilespmem:s15], [sflag:$0x1] =	stream.indirect.gather [hbm4b:s1+s14], $0x40, s30, s14, $0xb8;
	[tilespmem:$0x13000] =	vst v63  }
0x2a: {  	_ =	swait.ge [sflag:s18], $0x2000  }
0x2b: {  	[sflag:s18] =	ssyncset.done $0x0  }
0x2c: {  	s31 =	simm.s32 $0x2880;
	[sflag:s18] =	ssyncadd.s32 $0xFFFFE000  }
0x2d: {  	[spmem:s3] =	stream.indirect.scatter.add.bf16 [tilespmem:s16], [sflag:$0x3], $0x40, s31, s14, $0xb8;
	[tilespmem:$0x13000] =	vst v63  }
0x2e: {  	_ =	swait.ge [sflag:s12], $0x2000  }
0x2f: {  	s24 =	simm.s32 $0x800;
	s23 =	simm.s32 $0x100;
	[sflag:s12] =	ssyncset.done $0x0  }
.LBB2_2:
0x30: {  	s25 =	sadd.s32 $0x80, s23  }
0x31: {  	[sflag:s12] =	ssyncadd.s32 $0xFFFFE000;
	s26 =	smov.u32 s24;
	s28 =	sadd.s32 $0x400, s24  }
0x32: {  	[tilespmem:s16], [sflag:$0x2] =	stream.indirect.gather [hbm4b:s1+s14], $0x40, s25, s14, $0xb8;
	[tilespmem:$0x13000] =	vst v63  }
0x33: {  	p0 =	sne.s32 s24, $0x9800;
	_ =	swait.ge [sflag:s17], $0x2000  }
0x34: {  	[sflag:s17] =	ssyncset.done $0x0  }
0x35: {  	s24 =	sadd.s32 $0x2800, s23;
	[sflag:s17] =	ssyncadd.s32 $0xFFFFE000  }
0x36: {  	[spmem:s3] =	stream.indirect.scatter.add.bf16 [tilespmem:s15], [sflag:$0x3], $0x40, s24, s14, $0xb8;
	[tilespmem:$0x13000] =	vst v63  }
0x37: {  	_ =	swait.ge [sflag:s12], $0x2000  }
0x38: {  	[sflag:s12] =	ssyncset.done $0x0  }
0x39: {  	s24 =	sadd.s32 $0x100, s23;
	[sflag:s12] =	ssyncadd.s32 $0xFFFFE000  }
0x3a: {  	[tilespmem:s15], [sflag:$0x1] =	stream.indirect.gather [hbm4b:s1+s14], $0x40, s24, s14, $0xb8;
	[tilespmem:$0x13000] =	vst v63  }
0x3b: {  	_ =	swait.ge [sflag:s18], $0x2000  }
.Ltmp0:
0x3c: {  	[sflag:s18] =	ssyncset.done $0x0;
	(pc) =	sbr.rel @p0 .LBB2_2-.Ltmp0, $4  }
0x3d: {  	s23 =	sadd.s32 $0x2880, s23;
	[sflag:s18] =	ssyncadd.s32 $0xFFFFE000  }
0x3e: {  	[spmem:s3] =	stream.indirect.scatter.add.bf16 [tilespmem:s16], [sflag:$0x3], $0x40, s23, s14, $0xb8;
	[tilespmem:$0x13000] =	vst v63  }
0x3f: {  	_ =	swait.ge [sflag:s12], $0x2000  }
0x40: {  	s24 =	smov.u32 s28;
	s23 =	sshra.s32 s26, $0x2;
	[sflag:s12] =	ssyncset.done $0x0  }
0x41: {  	s24 =	sadd.s32 $0x80, s23;
	[sflag:s12] =	ssyncadd.s32 $0xFFFFE000  }
0x42: {  	[tilespmem:s16], [sflag:$0x2] =	stream.indirect.gather [hbm4b:s1+s14], $0x40, s24, s14, $0xb8;
	[tilespmem:$0x13000] =	vst v63  }
0x43: {  	_ =	swait.ge [sflag:s17], $0x2000  }
0x44: {  	[sflag:s17] =	ssyncset.done $0x0  }
0x45: {  	s29 =	sadd.s32 $0x2800, s23;
	[sflag:s17] =	ssyncadd.s32 $0xFFFFE000  }
0x46: {  	[spmem:s3] =	stream.indirect.scatter.add.bf16 [tilespmem:s15], [sflag:$0x3], $0x40, s29, s14, $0xb8;
	[tilespmem:$0x13000] =	vst v63  }
0x47: {  	_ =	swait.ge [sflag:s12], $0x2000  }
0x48: {  	[sflag:s12] =	ssyncset.done $0x0  }
0x49: {  	s30 =	sadd.s32 $0x100, s23;
	[sflag:s12] =	ssyncadd.s32 $0xFFFFE000  }
0x4a: {  	[tilespmem:s15], [sflag:$0x1] =	stream.indirect.gather [hbm4b:s1+s14], $0x40, s30, s14, $0xb8;
	[tilespmem:$0x13000] =	vst v63  }
0x4b: {  	_ =	swait.ge [sflag:s18], $0x2000  }
0x4c: {  	[sflag:s18] =	ssyncset.done $0x0  }
0x4d: {  	s31 =	sadd.s32 $0x2880, s23;
	[sflag:s18] =	ssyncadd.s32 $0xFFFFE000  }
0x4e: {  	[spmem:s3] =	stream.indirect.scatter.add.bf16 [tilespmem:s16], [sflag:$0x3], $0x40, s31, s14, $0xb8;
	[tilespmem:$0x13000] =	vst v63  }
0x4f: {  	_ =	swait.ge [sflag:s12], $0x2000  }
0x50: {  	[sflag:s12] =	ssyncset.done $0x0  }
0x51: {  	[sflag:s12] =	ssyncadd.s32 $0xFFFFE000  }
0x52: {  	[tilespmem:s16], [sflag:$0x2] =	stream.indirect.gather [hbm4b:s1+s14], $0x40, s19, s14, $0xb8;
	[tilespmem:$0x13000] =	vst v63  }
0x53: {  	_ =	swait.ge [sflag:s17], $0x2000  }
0x54: {  	[sflag:s17] =	ssyncset.done $0x0  }
0x55: {  	[sflag:s17] =	ssyncadd.s32 $0xFFFFE000  }
0x56: {  	[spmem:s3] =	stream.indirect.scatter.add.bf16 [tilespmem:s15], [sflag:$0x3], $0x40, s20, s14, $0xb8;
	[tilespmem:$0x13000] =	vst v63  }
0x57: {  	_ =	swait.ge [sflag:s12], $0x2000  }
0x58: {  	[sflag:s12] =	ssyncset.done $0x0  }
0x59: {  	[sflag:s12] =	ssyncadd.s32 $0xFFFFE000  }
0x5a: {  	_ =	swait.ge [sflag:s18], $0x2000  }
0x5b: {  	[sflag:s18] =	ssyncset.done $0x0  }
0x5c: {  	[sflag:s18] =	ssyncadd.s32 $0xFFFFE000  }
0x5d: {  	[spmem:s3] =	stream.indirect.scatter.add.bf16 [tilespmem:s16], [sflag:$0x3], $0x40, s21, s14, $0xb8;
	[tilespmem:$0x13000] =	vst v63  }
0x5e: {  	_ =	swait.ge [sflag:s12], $0x2000  }
0x5f: {  	s22 =	sadd.s32 $0x1, s22;
	[sflag:s12] =	ssyncset.done $0x0  }
0x60: {  	p0 =	sne.s32 s22, s10;
	[sflag:s12] =	ssyncadd.s32 $0xFFFFE000  }
.Ltmp1:
0x61: {  	[bflag:$0x0] =	sbarrier.arrive $0xFFFF;
	(pc) =	sbr.rel @p0 .LBB2_1-.Ltmp1, $4  }
0x62: {  	[hbm:s9], [sflag:s6] =	dma.local [spmem:s11], $0x1400  }
0x63: {  	_ =	swait.ge [sflag:s12], $0x1400  }
0x64: {  	[sflag:s12] =	ssyncset.done $0x0  }
0x65: {  	[sflag:s12] =	ssyncadd.s32 $0xFFFFEC00  }
0x66: {  	_ =	sfence.sel $0x180000  }
0x67: {  	[bflag:$0x0] =	sbarrier.arrive $0xFFFF  }
0x68: {  	p0 =	sne.s32 s2, $0x0;
	_ =	strace $0x90000047  }
0x69: {  	s0 =	sadd.s32 @!p0 $0x100000, s0;
	[bflag:$0x2] =	sbarrier.arrive $0xFFFF  }
0x6a: {  	[sflag:s0] =	ssyncadd.tile.s32 @!p0 $0x1;
	_ =	shalt  }
.Lfunc_end2:
_tile_overlayer_lowered:
.L_overlay_start_2:
0x6b: {  	(tag) =	ssettag $0x2  }
0x6c: {  	s0 =	rddreg [dreg:$0x0];
	s2 =	stileid.u32  }
0x6d: {  	s1 =	rddreg [dreg:$0x1];
	p0 =	sne.s32 s2, $0x0  }
0x6e: {  	s3 =	rddreg [dreg:$0x2];
	[bflag:$0x3] =	sbarrier.arrive $0xFFFF;
	s2 =	simm.s32 @!p0 $0x1C03  }
0x6f: {  	[timem:s3], [sflag:s2] =	dma.local @!p0 [hbm:s0], s1  }
0x70: {  	s0 =	simm.s32 @!p0 $0x3  }
0x71: {  	_ =	swait.ge @!p0 [sflag:s0], s1  }
0x72: {  	s1 =	ssub.s32 @!p0 $0x0, s1;
	[sflag:s0] =	ssyncset.done @!p0 $0x0  }
0x73: {  	[sflag:s0] =	ssyncadd.s32 @!p0 s1  }
0x74: {  	[bflag:$0x3] =	sbarrier.arrive $0xFFFF  }
0x75: {  	_ =	shalt  }

</sc_bundles>
